<compile_context>
chip_gen: v7x
topology: tpu7x:2x2x1
jax: 0.10.2.dev20260603
libtpu: 0.0.44.dev20260713+nightly
codegen_flags: <defaults>
</compile_context>

<pallas_src>
import functools
import jax
import jax.numpy as jnp
from jax import lax
from jax.experimental import pallas as pl
from jax.experimental.pallas import tpu as pltpu
from jax.experimental.pallas import tpu_sc as plsc

_CTXW = 20
_D = 128
_H = 128
_V = 100000
_R = 4096
_NB = (_V + _R - 1) // _R
_S = 5
_P1 = (_NB + _S - 1) // _S
_OFFS = [min(k * _P1, _NB) for k in range(_S + 1)]


_GPAD = 32
_GW = 4
_GB = _GPAD // _GW


def _sc_gather_kernel(tab_ref, idx_ref, out_ref, idx_v, rows_v, sem):
    wid = lax.axis_index("s") * 2 + lax.axis_index("c")

    @pl.when(wid < _GW)
    def _do():
        base = wid * _GB
        pltpu.sync_copy(idx_ref.at[pl.ds(base, _GB)], idx_v)
        pltpu.async_copy(tab_ref.at[idx_v], rows_v, sem).wait()
        pltpu.sync_copy(rows_v, out_ref.at[pl.ds(base, _GB), :])


def _l1_kernel(e_ref, w1_ref, b1_ref, h_ref):
    e = e_ref[:, :_CTXW * _D]
    h = jnp.dot(e, w1_ref[...].T, preferred_element_type=jnp.float32)
    h_ref[...] = jnp.maximum(h + b1_ref[...], 0.0)


def _l2_kernel(h_ref, b2_ref, *refs):
    w2_refs = refs[:_S]
    out_ref = refs[_S]
    logits_ref, m_ref, s_ref = refs[_S + 1:]
    t = pl.program_id(0)

    @pl.when(t == 0)
    def _init():
        m_ref[0, 0] = -jnp.inf
        s_ref[0, 0] = 0.0

    @pl.when(t < _P1)
    def _stream():
        h = h_ref[...]
        for k in range(_S):
            cnt = _OFFS[k + 1] - _OFFS[k]

            @pl.when(t < cnt)
            def _do(k=k):
                b = _OFFS[k] + t
                logits = jnp.dot(h, w2_refs[k][...].T,
                                 preferred_element_type=jnp.float32)
                logits = logits + b2_ref[:, pl.ds(b * _R, _R)]
                col = b * _R + jax.lax.broadcasted_iota(jnp.int32, (1, _R), 1)
                logits = jnp.where(col < _V, logits, -jnp.inf)
                logits_ref[:, pl.ds(b * _R, _R)] = logits

                tile_max = jnp.max(logits)
                m_old = m_ref[0, 0]
                m_new = jnp.maximum(m_old, tile_max)
                s_ref[0, 0] = (s_ref[0, 0] * jnp.exp(m_old - m_new)
                               + jnp.sum(jnp.exp(logits - m_new)))
                m_ref[0, 0] = m_new

    @pl.when(t == _P1 - 1)
    def _fin():
        m_ref[0, 0] = m_ref[0, 0] + jnp.log(s_ref[0, 0])

    @pl.when(t == _P1)
    def _emit():
        out_ref[...] = logits_ref[:, :_V] - m_ref[0, 0]


def kernel(inputs, table, W1, b1, W2, b2):
    idx = inputs.astype(jnp.int32)
    b1r = b1.reshape(1, _H)
    b2r = jnp.pad(b2.reshape(1, _V), ((0, 0), (0, _NB * _R - _V)))

    idx32 = jnp.pad(idx, (0, _GPAD - _CTXW))
    embeds = pl.kernel(
        _sc_gather_kernel,
        out_type=jax.ShapeDtypeStruct((_GPAD, _D), jnp.float32),
        mesh=plsc.VectorSubcoreMesh(core_axis_name="c", subcore_axis_name="s"),
        scratch_types=[
            pltpu.VMEM((_GB,), jnp.int32),
            pltpu.VMEM((_GB, _D), jnp.float32),
            pltpu.SemaphoreType.DMA,
        ],
    )(table, idx32)
    e_flat = embeds.reshape(1, _GPAD * _D)

    h = pl.pallas_call(
        _l1_kernel,
        in_specs=[
            pl.BlockSpec(memory_space=pltpu.VMEM),
            pl.BlockSpec(memory_space=pltpu.VMEM),
            pl.BlockSpec(memory_space=pltpu.VMEM),
        ],
        out_specs=pl.BlockSpec(memory_space=pltpu.VMEM),
        out_shape=jax.ShapeDtypeStruct((1, _H), jnp.float32),
    )(e_flat, W1, b1r)

    def _w2_map(k):
        lo, hi = _OFFS[k], _OFFS[k + 1] - 1
        return lambda t: (jnp.clip(lo + t, lo, hi), 0)

    out = pl.pallas_call(
        _l2_kernel,
        grid=(_P1 + 1,),
        in_specs=(
            [pl.BlockSpec((1, _H), lambda t: (0, 0)),
             pl.BlockSpec((1, _NB * _R), lambda t: (0, 0))]
            + [pl.BlockSpec((_R, _D), _w2_map(k)) for k in range(_S)]
        ),
        out_specs=pl.BlockSpec((1, _V), lambda t: (0, 0)),
        out_shape=jax.ShapeDtypeStruct((1, _V), jnp.float32),
        scratch_shapes=[
            pltpu.VMEM((1, _NB * _R), jnp.float32),
            pltpu.SMEM((1, 1), jnp.float32),
            pltpu.SMEM((1, 1), jnp.float32),
        ],
    )(h, b2r, *([W2] * _S))

    return out

# --- scband reference (transcript-rebuilt; emitter-appended) ---
"""Pipeline reference for scband-cbow-70944269795833 (READ-ONLY COPY).

The authoritative reference and input builder live on the scoring server;
editing this copy changes nothing except your own understanding.
"""

import jax, jax.numpy as jnp
import numpy as np

VOCAB = 100000
DIM = 128
CTX = 10

def setup_inputs(seed: int = 0) -> dict:
    key = jax.random.key(seed)
    k1, k2, k3, k4 = jax.random.split(key, 4)
    inputs = jax.random.randint(k1, (2 * CTX,), 0, VOCAB)
    table = jax.random.normal(k2, (VOCAB, DIM), dtype=jnp.float32) * 0.02
    W1 = jax.random.normal(k3, (128, 2 * CTX * DIM), dtype=jnp.float32) * 0.02
    b1 = jnp.zeros((128,), dtype=jnp.float32)
    W2 = jax.random.normal(k4, (VOCAB, 128), dtype=jnp.float32) * 0.02
    b2 = jnp.zeros((VOCAB,), dtype=jnp.float32)
    return {"inputs": inputs, "table": table, "W1": W1, "b1": b1, "W2": W2, "b2": b2}

def reference(inputs, table, W1, b1, W2, b2):
    # embedding gather -> SparseCore-mappable
    embeds = jnp.take(table, inputs, axis=0).reshape(1, -1)
    out = embeds @ W1.T + b1
    out = jax.nn.relu(out)
    out = out @ W2.T + b2
    log_probs = jax.nn.log_softmax(out, axis=1)
    return log_probs

if __name__ == "__main__":
    import jax
    _d = setup_inputs()
    print(jax.jit(kernel)(*tuple(_d.values())))

</pallas_src>

<mosaic_0001>
#map = affine_map<(d0, d1) -> (0, 0)>
#map1 = affine_map<(d0, d1) -> (0)>
module attributes {stable_mosaic.version = 14 : i64} {
  func.func @_sc_gather_kernel(%arg0: i32, %arg1: i32, %arg2: memref<100000x128xf32, #tpu.memory_space<hbm>>, %arg3: memref<32xi32, #tpu.memory_space<hbm>>, %arg4: memref<32x128xf32, #tpu.memory_space<hbm>>, %arg5: memref<8xi32, #tpu.memory_space<vmem>>, %arg6: memref<8x128xf32, #tpu.memory_space<vmem>>, %arg7: memref<!tpu.dma_semaphore, #tpu.memory_space<semaphore_mem>>) attributes {dimension_semantics = [#tpu.dimension_semantics<core_parallel>, #tpu.dimension_semantics<subcore_parallel>], iteration_bounds = array<i64: 2, 16>, scalar_prefetch = 0 : i64, scratch_operands = 3 : i64, tpu.core_type = #tpu.core_type<sc_vector_subcore>, window_params = [{transform_indices = #map}, {transform_indices = #map1}, {transform_indices = #map}]} {
    %mul3A = arith.constant 2 : i32
    %mul3A_0 = arith.muli %arg1, %mul3A : i32
    %add3A = arith.addi %mul3A_0, %arg0 : i32
    %lt3A = arith.constant 4 : i32
    %lt3A_1 = arith.cmpi slt, %add3A, %lt3A : i32
    %convert_element_type3A = arith.extui %lt3A_1 : i1 to i32
    %cond3A = arith.constant 0 : i32
    %cond3A_2 = arith.cmpi ne, %convert_element_type3A, %cond3A : i32
    scf.if %cond3A_2 {
      %mul3A_3 = arith.constant 8 : i32
      %mul3A_4 = arith.muli %add3A, %mul3A_3 : i32
      "tpu.region"() ({
        %run_scoped3A = tpu.sem_alloc : memref<!tpu.dma_semaphore, #tpu.memory_space<semaphore_mem>>
        %dma_start3A_9 = tpu.memref_slice %arg3[%mul3A_4] : memref<32xi32, #tpu.memory_space<hbm>> -> memref<8xi32, #tpu.memory_space<hbm>>
        %dma_start3A_10 = tpu.memref_slice %arg3[%mul3A_4] : memref<32xi32, #tpu.memory_space<hbm>> -> memref<8xi32, #tpu.memory_space<hbm>>
        tpu.enqueue_dma source(%dma_start3A_10 : memref<8xi32, #tpu.memory_space<hbm>>) target(%arg5 : memref<8xi32, #tpu.memory_space<vmem>>) target_semaphore(%run_scoped3A : memref<!tpu.dma_semaphore, #tpu.memory_space<semaphore_mem>>)
        %dma_wait3A_11 = tpu.memref_slice %arg3[%mul3A_4] : memref<32xi32, #tpu.memory_space<hbm>> -> memref<8xi32, #tpu.memory_space<hbm>>
        %dma_wait3A_12 = tpu.memref_slice %arg3[%mul3A_4] : memref<32xi32, #tpu.memory_space<hbm>> -> memref<8xi32, #tpu.memory_space<hbm>>
        tpu.wait_dma2 semaphore(%run_scoped3A : memref<!tpu.dma_semaphore, #tpu.memory_space<semaphore_mem>>) src(%dma_wait3A_12 : memref<8xi32, #tpu.memory_space<hbm>>) dst(%arg5 : memref<8xi32, #tpu.memory_space<vmem>>)
        tpu.yield
      }) : () -> ()
      %dma_start3A = arith.constant 0 : i32
      %dma_start3A_5 = arith.constant 0 : i32
      %dma_start3A_6 = tpu.memref_slice %arg2[%dma_start3A, %dma_start3A_5] : memref<100000x128xf32, #tpu.memory_space<hbm>> -> memref<100000x128xf32, #tpu.memory_space<hbm>>
      tpu.enqueue_indirect_dma source(%dma_start3A_6 : memref<100000x128xf32, #tpu.memory_space<hbm>>) target(%arg6 : memref<8x128xf32, #tpu.memory_space<vmem>>) offsets(%arg5 : memref<8xi32, #tpu.memory_space<vmem>>) semaphore(%arg7 : memref<!tpu.dma_semaphore, #tpu.memory_space<semaphore_mem>>)
      %dma_wait3A = arith.constant 0 : i32
      %dma_wait3A_7 = arith.constant 0 : i32
      %dma_wait3A_8 = tpu.memref_slice %arg2[%dma_wait3A, %dma_wait3A_7] : memref<100000x128xf32, #tpu.memory_space<hbm>> -> memref<100000x128xf32, #tpu.memory_space<hbm>>
      tpu.wait_indirect_dma semaphore(%arg7 : memref<!tpu.dma_semaphore, #tpu.memory_space<semaphore_mem>>) src(%dma_wait3A_8 : memref<100000x128xf32, #tpu.memory_space<hbm>>) dst(%arg6 : memref<8x128xf32, #tpu.memory_space<vmem>>)
      "tpu.region"() ({
        %run_scoped3A = tpu.sem_alloc : memref<!tpu.dma_semaphore, #tpu.memory_space<semaphore_mem>>
        %dma_start3A_9 = arith.constant 0 : i32
        %dma_start3A_10 = tpu.memref_slice %arg4[%mul3A_4, %dma_start3A_9] : memref<32x128xf32, #tpu.memory_space<hbm>> -> memref<8x128xf32, #tpu.memory_space<hbm>>
        %dma_start3A_11 = arith.constant 0 : i32
        %dma_start3A_12 = tpu.memref_slice %arg4[%mul3A_4, %dma_start3A_11] : memref<32x128xf32, #tpu.memory_space<hbm>> -> memref<8x128xf32, #tpu.memory_space<hbm>>
        tpu.enqueue_dma source(%arg6 : memref<8x128xf32, #tpu.memory_space<vmem>>) target(%dma_start3A_12 : memref<8x128xf32, #tpu.memory_space<hbm>>) target_semaphore(%run_scoped3A : memref<!tpu.dma_semaphore, #tpu.memory_space<semaphore_mem>>)
        %dma_wait3A_13 = arith.constant 0 : i32
        %dma_wait3A_14 = tpu.memref_slice %arg4[%mul3A_4, %dma_wait3A_13] : memref<32x128xf32, #tpu.memory_space<hbm>> -> memref<8x128xf32, #tpu.memory_space<hbm>>
        %dma_wait3A_15 = arith.constant 0 : i32
        %dma_wait3A_16 = tpu.memref_slice %arg4[%mul3A_4, %dma_wait3A_15] : memref<32x128xf32, #tpu.memory_space<hbm>> -> memref<8x128xf32, #tpu.memory_space<hbm>>
        tpu.wait_dma2 semaphore(%run_scoped3A : memref<!tpu.dma_semaphore, #tpu.memory_space<semaphore_mem>>) src(%arg6 : memref<8x128xf32, #tpu.memory_space<vmem>>) dst(%dma_wait3A_16 : memref<8x128xf32, #tpu.memory_space<hbm>>)
        tpu.yield
      }) : () -> ()
    } else {
    }
    return
  }
}

module attributes {stable_mosaic.version = 14 : i64} {
  func.func @_l2_kernel(%arg0: i32, %arg1: memref<1x128xf32, #tpu.memory_space<vmem>>, %arg2: memref<1x102400xf32, #tpu.memory_space<vmem>>, %arg3: memref<4096x128xf32, #tpu.memory_space<vmem>>, %arg4: memref<4096x128xf32, #tpu.memory_space<vmem>>, %arg5: memref<4096x128xf32, #tpu.memory_space<vmem>>, %arg6: memref<4096x128xf32, #tpu.memory_space<vmem>>, %arg7: memref<4096x128xf32, #tpu.memory_space<vmem>>, %arg8: memref<1x100000xf32, #tpu.memory_space<vmem>>, %arg9: memref<1x102400xf32, #tpu.memory_space<vmem>>, %arg10: memref<1x1xf32, #tpu.memory_space<smem>>, %arg11: memref<1x1xf32, #tpu.memory_space<smem>>) attributes {dimension_semantics = [#tpu.dimension_semantics<arbitrary>], iteration_bounds = array<i64: 6>, scalar_prefetch = 0 : i64, scratch_operands = 3 : i64, tpu.core_type = #tpu.core_type<tc>, window_params = [{pipeline_mode = #tpu.pipeline_mode<synchronous>, transform_indices = @transform_0, window_bounds = array<i64: 1, 128>}, {pipeline_mode = #tpu.pipeline_mode<synchronous>, transform_indices = @transform_1, window_bounds = array<i64: 1, 102400>}, {transform_indices = @transform_2, window_bounds = array<i64: 4096, 128>}, {transform_indices = @transform_3, window_bounds = array<i64: 4096, 128>}, {transform_indices = @transform_4, window_bounds = array<i64: 4096, 128>}, {transform_indices = @transform_5, window_bounds = array<i64: 4096, 128>}, {transform_indices = @transform_6, window_bounds = array<i64: 4096, 128>}, {pipeline_mode = #tpu.pipeline_mode<synchronous>, transform_indices = @transform_7, window_bounds = array<i64: 1, 100000>}]} {
    %eq3A = arith.constant 0 : i32
    %eq3A_0 = arith.cmpi eq, %arg0, %eq3A : i32
    %convert_element_type3A = arith.extui %eq3A_0 : i1 to i32
    %cond3A = arith.constant 0 : i32
    %cond3A_1 = arith.cmpi ne, %convert_element_type3A, %cond3A : i32
    scf.if %cond3A_1 {
      %swap3A = arith.constant 0xFF800000 : f32
      %swap3A_16 = arith.constant 0 : index
      %swap3A_17 = arith.constant 0 : index
      %swap3A_18 = memref.load %arg10[%swap3A_16, %swap3A_17] : memref<1x1xf32, #tpu.memory_space<smem>>
      memref.store %swap3A, %arg10[%swap3A_16, %swap3A_17] : memref<1x1xf32, #tpu.memory_space<smem>>
      %swap3A_19 = arith.constant 0.000000e+00 : f32
      %swap3A_20 = arith.constant 0 : index
      %swap3A_21 = arith.constant 0 : index
      %swap3A_22 = memref.load %arg11[%swap3A_20, %swap3A_21] : memref<1x1xf32, #tpu.memory_space<smem>>
      memref.store %swap3A_19, %arg11[%swap3A_20, %swap3A_21] : memref<1x1xf32, #tpu.memory_space<smem>>
    } else {
    }
    %lt3A = arith.constant 5 : i32
    %lt3A_2 = arith.cmpi slt, %arg0, %lt3A : i32
    %convert_element_type3A_3 = arith.extui %lt3A_2 : i1 to i32
    %cond3A_4 = arith.constant 0 : i32
    %cond3A_5 = arith.cmpi ne, %convert_element_type3A_3, %cond3A_4 : i32
    scf.if %cond3A_5 {
      %get3A = arith.constant 0 : index
      %get3A_16 = arith.constant 0 : index
      %get3A_17 = vector.load %arg1[%get3A, %get3A_16] : memref<1x128xf32, #tpu.memory_space<vmem>>, vector<1x128xf32>
      %lt3A_18 = arith.constant 5 : i32
      %lt3A_19 = arith.cmpi slt, %arg0, %lt3A_18 : i32
      %convert_element_type3A_20 = arith.extui %lt3A_19 : i1 to i32
      %cond3A_21 = arith.constant 0 : i32
      %cond3A_22 = arith.cmpi ne, %convert_element_type3A_20, %cond3A_21 : i32
      scf.if %cond3A_22 {
        %add3A = arith.constant 0 : i32
        %add3A_43 = arith.addi %add3A, %arg0 : i32
        %get3A_44 = arith.constant 0 : index
        %get3A_45 = arith.constant 0 : index
        %get3A_46 = vector.load %arg3[%get3A_44, %get3A_45] : memref<4096x128xf32, #tpu.memory_space<vmem>>, vector<4096x128xf32>
        %transpose3A = tpu.transpose %get3A_46, [1, 0] : vector<4096x128xf32> -> vector<128x4096xf32>
        %dot_general3A = arith.constant dense<0.000000e+00> : vector<1x4096xf32>
        %dot_general3A_47 = tpu.matmul %get3A_17, %transpose3A, %dot_general3A {dimension_numbers = #tpu.dot_dimension_numbers<[1], [0], [0], [1], [0, 0, 1, 1], [], []>, transpose_lhs_hint = false} : vector<1x128xf32>, vector<128x4096xf32>, vector<1x4096xf32> -> vector<1x4096xf32>
        %mul3A = arith.constant 4096 : i32
        %mul3A_48 = arith.muli %add3A_43, %mul3A : i32
        %get3A_49 = arith.constant 0 : index
        %get3A_50 = arith.index_cast %mul3A_48 : i32 to index
        %get3A_51 = vector.load %arg2[%get3A_49, %get3A_50] : memref<1x102400xf32, #tpu.memory_space<vmem>>, vector<1x4096xf32>
        %add3A_52 = arith.addf %dot_general3A_47, %get3A_51 : vector<1x4096xf32>
        %mul3A_53 = arith.constant 4096 : i32
        %mul3A_54 = arith.muli %add3A_43, %mul3A_53 : i32
        %iota3A = tpu.iota {dimensions = array<i32: 1>} : vector<1x4096xi32>
        %add3A_55 = vector.broadcast %mul3A_54 : i32 to vector<1x4096xi32>
        %add3A_56 = arith.addi %add3A_55, %iota3A : vector<1x4096xi32>
        %lt3A_57 = arith.constant 100000 : i32
        %lt3A_58 = vector.broadcast %lt3A_57 : i32 to vector<1x4096xi32>
        %lt3A_59 = arith.cmpi slt, %add3A_56, %lt3A_58 : vector<1x4096xi32>
        %jit3A = arith.constant 0xFF800000 : f32
        %broadcast_in_dim3A = vector.broadcast %jit3A : f32 to vector<1x4096xf32>
        %select_n3A = arith.select %lt3A_59, %add3A_52, %broadcast_in_dim3A : vector<1x4096xi1>, vector<1x4096xf32>
        %mul3A_60 = arith.constant 4096 : i32
        %mul3A_61 = arith.muli %add3A_43, %mul3A_60 : i32
        %swap3A = arith.constant 0 : index
        %swap3A_62 = arith.index_cast %mul3A_61 : i32 to index
        %swap3A_63 = vector.load %arg9[%swap3A, %swap3A_62] : memref<1x102400xf32, #tpu.memory_space<vmem>>, vector<1x4096xf32>
        tpu.vector_store %arg9[%swap3A, %swap3A_62], %select_n3A {strides = array<i32>} : memref<1x102400xf32, #tpu.memory_space<vmem>>, vector<1x4096xf32>,
        %reduce_max3A = vector.shape_cast %select_n3A : vector<1x4096xf32> to vector<1x1x4096xf32>
        %reduce_max3A_64 = arith.constant dense<0xFF800000> : vector<1xf32>
        %reduce_max3A_65 = vector.multi_reduction <maximumf>, %reduce_max3A, %reduce_max3A_64 [1, 2] : vector<1x1x4096xf32> to vector<1xf32>
        %reduce_max3A_66 = vector.shape_cast %reduce_max3A_65 : vector<1xf32> to vector<1x1x1xf32>
        %reduce_max3A_67 = vector.extract %reduce_max3A_66[0, 0, 0] : f32 from vector<1x1x1xf32>
        %get3A_68 = arith.constant 0 : index
        %get3A_69 = arith.constant 0 : index
        %get3A_70 = memref.load %arg10[%get3A_68, %get3A_69] : memref<1x1xf32, #tpu.memory_space<smem>>
        %max3A = arith.maximumf %get3A_70, %reduce_max3A_67 : f32
        %get3A_71 = arith.constant 0 : index
        %get3A_72 = arith.constant 0 : index
        %get3A_73 = memref.load %arg11[%get3A_71, %get3A_72] : memref<1x1xf32, #tpu.memory_space<smem>>
        %sub3A = arith.subf %get3A_70, %max3A : f32
        %exp3A = math.exp %sub3A : f32
        %mul3A_74 = arith.mulf %get3A_73, %exp3A : f32
        %sub3A_75 = vector.broadcast %max3A : f32 to vector<1x4096xf32>
        %sub3A_76 = arith.subf %select_n3A, %sub3A_75 : vector<1x4096xf32>
        %exp3A_77 = math.exp %sub3A_76 : vector<1x4096xf32>
        %reduce_sum3A = vector.shape_cast %exp3A_77 : vector<1x4096xf32> to vector<1x1x4096xf32>
        %reduce_sum3A_78 = arith.constant dense<0.000000e+00> : vector<1xf32>
        %reduce_sum3A_79 = vector.multi_reduction <add>, %reduce_sum3A, %reduce_sum3A_78 [1, 2] : vector<1x1x4096xf32> to vector<1xf32>
        %reduce_sum3A_80 = vector.shape_cast %reduce_sum3A_79 : vector<1xf32> to vector<1x1x1xf32>
        %reduce_sum3A_81 = vector.extract %reduce_sum3A_80[0, 0, 0] : f32 from vector<1x1x1xf32>
        %add3A_82 = arith.addf %mul3A_74, %reduce_sum3A_81 : f32
        %swap3A_83 = arith.constant 0 : index
        %swap3A_84 = arith.constant 0 : index
        %swap3A_85 = memref.load %arg11[%swap3A_83, %swap3A_84] : memref<1x1xf32, #tpu.memory_space<smem>>
        memref.store %add3A_82, %arg11[%swap3A_83, %swap3A_84] : memref<1x1xf32, #tpu.memory_space<smem>>
        %swap3A_86 = arith.constant 0 : index
        %swap3A_87 = arith.constant 0 : index
        %swap3A_88 = memref.load %arg10[%swap3A_86, %swap3A_87] : memref<1x1xf32, #tpu.memory_space<smem>>
        memref.store %max3A, %arg10[%swap3A_86, %swap3A_87] : memref<1x1xf32, #tpu.memory_space<smem>>
      } else {
      }
      %lt3A_23 = arith.constant 5 : i32
      %lt3A_24 = arith.cmpi slt, %arg0, %lt3A_23 : i32
      %convert_element_type3A_25 = arith.extui %lt3A_24 : i1 to i32
      %cond3A_26 = arith.constant 0 : i32
      %cond3A_27 = arith.cmpi ne, %convert_element_type3A_25, %cond3A_26 : i32
      scf.if %cond3A_27 {
        %add3A = arith.constant 5 : i32
        %add3A_43 = arith.addi %add3A, %arg0 : i32
        %get3A_44 = arith.constant 0 : index
        %get3A_45 = arith.constant 0 : index
        %get3A_46 = vector.load %arg4[%get3A_44, %get3A_45] : memref<4096x128xf32, #tpu.memory_space<vmem>>, vector<4096x128xf32>
        %transpose3A = tpu.transpose %get3A_46, [1, 0] : vector<4096x128xf32> -> vector<128x4096xf32>
        %dot_general3A = arith.constant dense<0.000000e+00> : vector<1x4096xf32>
        %dot_general3A_47 = tpu.matmul %get3A_17, %transpose3A, %dot_general3A {dimension_numbers = #tpu.dot_dimension_numbers<[1], [0], [0], [1], [0, 0, 1, 1], [], []>, transpose_lhs_hint = false} : vector<1x128xf32>, vector<128x4096xf32>, vector<1x4096xf32> -> vector<1x4096xf32>
        %mul3A = arith.constant 4096 : i32
        %mul3A_48 = arith.muli %add3A_43, %mul3A : i32
        %get3A_49 = arith.constant 0 : index
        %get3A_50 = arith.index_cast %mul3A_48 : i32 to index
        %get3A_51 = vector.load %arg2[%get3A_49, %get3A_50] : memref<1x102400xf32, #tpu.memory_space<vmem>>, vector<1x4096xf32>
        %add3A_52 = arith.addf %dot_general3A_47, %get3A_51 : vector<1x4096xf32>
        %mul3A_53 = arith.constant 4096 : i32
        %mul3A_54 = arith.muli %add3A_43, %mul3A_53 : i32
        %iota3A = tpu.iota {dimensions = array<i32: 1>} : vector<1x4096xi32>
        %add3A_55 = vector.broadcast %mul3A_54 : i32 to vector<1x4096xi32>
        %add3A_56 = arith.addi %add3A_55, %iota3A : vector<1x4096xi32>
        %lt3A_57 = arith.constant 100000 : i32
        %lt3A_58 = vector.broadcast %lt3A_57 : i32 to vector<1x4096xi32>
        %lt3A_59 = arith.cmpi slt, %add3A_56, %lt3A_58 : vector<1x4096xi32>
        %jit3A = arith.constant 0xFF800000 : f32
        %broadcast_in_dim3A = vector.broadcast %jit3A : f32 to vector<1x4096xf32>
        %select_n3A = arith.select %lt3A_59, %add3A_52, %broadcast_in_dim3A : vector<1x4096xi1>, vector<1x4096xf32>
        %mul3A_60 = arith.constant 4096 : i32
        %mul3A_61 = arith.muli %add3A_43, %mul3A_60 : i32
        %swap3A = arith.constant 0 : index
        %swap3A_62 = arith.index_cast %mul3A_61 : i32 to index
        %swap3A_63 = vector.load %arg9[%swap3A, %swap3A_62] : memref<1x102400xf32, #tpu.memory_space<vmem>>, vector<1x4096xf32>
        tpu.vector_store %arg9[%swap3A, %swap3A_62], %select_n3A {strides = array<i32>} : memref<1x102400xf32, #tpu.memory_space<vmem>>, vector<1x4096xf32>,
        %reduce_max3A = vector.shape_cast %select_n3A : vector<1x4096xf32> to vector<1x1x4096xf32>
        %reduce_max3A_64 = arith.constant dense<0xFF800000> : vector<1xf32>
        %reduce_max3A_65 = vector.multi_reduction <maximumf>, %reduce_max3A, %reduce_max3A_64 [1, 2] : vector<1x1x4096xf32> to vector<1xf32>
        %reduce_max3A_66 = vector.shape_cast %reduce_max3A_65 : vector<1xf32> to vector<1x1x1xf32>
        %reduce_max3A_67 = vector.extract %reduce_max3A_66[0, 0, 0] : f32 from vector<1x1x1xf32>
        %get3A_68 = arith.constant 0 : index
        %get3A_69 = arith.constant 0 : index
        %get3A_70 = memref.load %arg10[%get3A_68, %get3A_69] : memref<1x1xf32, #tpu.memory_space<smem>>
        %max3A = arith.maximumf %get3A_70, %reduce_max3A_67 : f32
        %get3A_71 = arith.constant 0 : index
        %get3A_72 = arith.constant 0 : index
        %get3A_73 = memref.load %arg11[%get3A_71, %get3A_72] : memref<1x1xf32, #tpu.memory_space<smem>>
        %sub3A = arith.subf %get3A_70, %max3A : f32
        %exp3A = math.exp %sub3A : f32
        %mul3A_74 = arith.mulf %get3A_73, %exp3A : f32
        %sub3A_75 = vector.broadcast %max3A : f32 to vector<1x4096xf32>
        %sub3A_76 = arith.subf %select_n3A, %sub3A_75 : vector<1x4096xf32>
        %exp3A_77 = math.exp %sub3A_76 : vector<1x4096xf32>
        %reduce_sum3A = vector.shape_cast %exp3A_77 : vector<1x4096xf32> to vector<1x1x4096xf32>
        %reduce_sum3A_78 = arith.constant dense<0.000000e+00> : vector<1xf32>
        %reduce_sum3A_79 = vector.multi_reduction <add>, %reduce_sum3A, %reduce_sum3A_78 [1, 2] : vector<1x1x4096xf32> to vector<1xf32>
        %reduce_sum3A_80 = vector.shape_cast %reduce_sum3A_79 : vector<1xf32> to vector<1x1x1xf32>
        %reduce_sum3A_81 = vector.extract %reduce_sum3A_80[0, 0, 0] : f32 from vector<1x1x1xf32>
        %add3A_82 = arith.addf %mul3A_74, %reduce_sum3A_81 : f32
        %swap3A_83 = arith.constant 0 : index
        %swap3A_84 = arith.constant 0 : index
        %swap3A_85 = memref.load %arg11[%swap3A_83, %swap3A_84] : memref<1x1xf32, #tpu.memory_space<smem>>
        memref.store %add3A_82, %arg11[%swap3A_83, %swap3A_84] : memref<1x1xf32, #tpu.memory_space<smem>>
        %swap3A_86 = arith.constant 0 : index
        %swap3A_87 = arith.constant 0 : index
        %swap3A_88 = memref.load %arg10[%swap3A_86, %swap3A_87] : memref<1x1xf32, #tpu.memory_space<smem>>
        memref.store %max3A, %arg10[%swap3A_86, %swap3A_87] : memref<1x1xf32, #tpu.memory_space<smem>>
      } else {
      }
      %lt3A_28 = arith.constant 5 : i32
      %lt3A_29 = arith.cmpi slt, %arg0, %lt3A_28 : i32
      %convert_element_type3A_30 = arith.extui %lt3A_29 : i1 to i32
      %cond3A_31 = arith.constant 0 : i32
      %cond3A_32 = arith.cmpi ne, %convert_element_type3A_30, %cond3A_31 : i32
      scf.if %cond3A_32 {
        %add3A = arith.constant 10 : i32
        %add3A_43 = arith.addi %add3A, %arg0 : i32
        %get3A_44 = arith.constant 0 : index
        %get3A_45 = arith.constant 0 : index
        %get3A_46 = vector.load %arg5[%get3A_44, %get3A_45] : memref<4096x128xf32, #tpu.memory_space<vmem>>, vector<4096x128xf32>
        %transpose3A = tpu.transpose %get3A_46, [1, 0] : vector<4096x128xf32> -> vector<128x4096xf32>
        %dot_general3A = arith.constant dense<0.000000e+00> : vector<1x4096xf32>
        %dot_general3A_47 = tpu.matmul %get3A_17, %transpose3A, %dot_general3A {dimension_numbers = #tpu.dot_dimension_numbers<[1], [0], [0], [1], [0, 0, 1, 1], [], []>, transpose_lhs_hint = false} : vector<1x128xf32>, vector<128x4096xf32>, vector<1x4096xf32> -> vector<1x4096xf32>
        %mul3A = arith.constant 4096 : i32
        %mul3A_48 = arith.muli %add3A_43, %mul3A : i32
        %get3A_49 = arith.constant 0 : index
        %get3A_50 = arith.index_cast %mul3A_48 : i32 to index
        %get3A_51 = vector.load %arg2[%get3A_49, %get3A_50] : memref<1x102400xf32, #tpu.memory_space<vmem>>, vector<1x4096xf32>
        %add3A_52 = arith.addf %dot_general3A_47, %get3A_51 : vector<1x4096xf32>
        %mul3A_53 = arith.constant 4096 : i32
        %mul3A_54 = arith.muli %add3A_43, %mul3A_53 : i32
        %iota3A = tpu.iota {dimensions = array<i32: 1>} : vector<1x4096xi32>
        %add3A_55 = vector.broadcast %mul3A_54 : i32 to vector<1x4096xi32>
        %add3A_56 = arith.addi %add3A_55, %iota3A : vector<1x4096xi32>
        %lt3A_57 = arith.constant 100000 : i32
        %lt3A_58 = vector.broadcast %lt3A_57 : i32 to vector<1x4096xi32>
        %lt3A_59 = arith.cmpi slt, %add3A_56, %lt3A_58 : vector<1x4096xi32>
        %jit3A = arith.constant 0xFF800000 : f32
        %broadcast_in_dim3A = vector.broadcast %jit3A : f32 to vector<1x4096xf32>
        %select_n3A = arith.select %lt3A_59, %add3A_52, %broadcast_in_dim3A : vector<1x4096xi1>, vector<1x4096xf32>
        %mul3A_60 = arith.constant 4096 : i32
        %mul3A_61 = arith.muli %add3A_43, %mul3A_60 : i32
        %swap3A = arith.constant 0 : index
        %swap3A_62 = arith.index_cast %mul3A_61 : i32 to index
        %swap3A_63 = vector.load %arg9[%swap3A, %swap3A_62] : memref<1x102400xf32, #tpu.memory_space<vmem>>, vector<1x4096xf32>
        tpu.vector_store %arg9[%swap3A, %swap3A_62], %select_n3A {strides = array<i32>} : memref<1x102400xf32, #tpu.memory_space<vmem>>, vector<1x4096xf32>,
        %reduce_max3A = vector.shape_cast %select_n3A : vector<1x4096xf32> to vector<1x1x4096xf32>
        %reduce_max3A_64 = arith.constant dense<0xFF800000> : vector<1xf32>
        %reduce_max3A_65 = vector.multi_reduction <maximumf>, %reduce_max3A, %reduce_max3A_64 [1, 2] : vector<1x1x4096xf32> to vector<1xf32>
        %reduce_max3A_66 = vector.shape_cast %reduce_max3A_65 : vector<1xf32> to vector<1x1x1xf32>
        %reduce_max3A_67 = vector.extract %reduce_max3A_66[0, 0, 0] : f32 from vector<1x1x1xf32>
        %get3A_68 = arith.constant 0 : index
        %get3A_69 = arith.constant 0 : index
        %get3A_70 = memref.load %arg10[%get3A_68, %get3A_69] : memref<1x1xf32, #tpu.memory_space<smem>>
        %max3A = arith.maximumf %get3A_70, %reduce_max3A_67 : f32
        %get3A_71 = arith.constant 0 : index
        %get3A_72 = arith.constant 0 : index
        %get3A_73 = memref.load %arg11[%get3A_71, %get3A_72] : memref<1x1xf32, #tpu.memory_space<smem>>
        %sub3A = arith.subf %get3A_70, %max3A : f32
        %exp3A = math.exp %sub3A : f32
        %mul3A_74 = arith.mulf %get3A_73, %exp3A : f32
        %sub3A_75 = vector.broadcast %max3A : f32 to vector<1x4096xf32>
        %sub3A_76 = arith.subf %select_n3A, %sub3A_75 : vector<1x4096xf32>
        %exp3A_77 = math.exp %sub3A_76 : vector<1x4096xf32>
        %reduce_sum3A = vector.shape_cast %exp3A_77 : vector<1x4096xf32> to vector<1x1x4096xf32>
        %reduce_sum3A_78 = arith.constant dense<0.000000e+00> : vector<1xf32>
        %reduce_sum3A_79 = vector.multi_reduction <add>, %reduce_sum3A, %reduce_sum3A_78 [1, 2] : vector<1x1x4096xf32> to vector<1xf32>
        %reduce_sum3A_80 = vector.shape_cast %reduce_sum3A_79 : vector<1xf32> to vector<1x1x1xf32>
        %reduce_sum3A_81 = vector.extract %reduce_sum3A_80[0, 0, 0] : f32 from vector<1x1x1xf32>
        %add3A_82 = arith.addf %mul3A_74, %reduce_sum3A_81 : f32
        %swap3A_83 = arith.constant 0 : index
        %swap3A_84 = arith.constant 0 : index
        %swap3A_85 = memref.load %arg11[%swap3A_83, %swap3A_84] : memref<1x1xf32, #tpu.memory_space<smem>>
        memref.store %add3A_82, %arg11[%swap3A_83, %swap3A_84] : memref<1x1xf32, #tpu.memory_space<smem>>
        %swap3A_86 = arith.constant 0 : index
        %swap3A_87 = arith.constant 0 : index
        %swap3A_88 = memref.load %arg10[%swap3A_86, %swap3A_87] : memref<1x1xf32, #tpu.memory_space<smem>>
        memref.store %max3A, %arg10[%swap3A_86, %swap3A_87] : memref<1x1xf32, #tpu.memory_space<smem>>
      } else {
      }
      %lt3A_33 = arith.constant 5 : i32
      %lt3A_34 = arith.cmpi slt, %arg0, %lt3A_33 : i32
      %convert_element_type3A_35 = arith.extui %lt3A_34 : i1 to i32
      %cond3A_36 = arith.constant 0 : i32
      %cond3A_37 = arith.cmpi ne, %convert_element_type3A_35, %cond3A_36 : i32
      scf.if %cond3A_37 {
        %add3A = arith.constant 15 : i32
        %add3A_43 = arith.addi %add3A, %arg0 : i32
        %get3A_44 = arith.constant 0 : index
        %get3A_45 = arith.constant 0 : index
        %get3A_46 = vector.load %arg6[%get3A_44, %get3A_45] : memref<4096x128xf32, #tpu.memory_space<vmem>>, vector<4096x128xf32>
        %transpose3A = tpu.transpose %get3A_46, [1, 0] : vector<4096x128xf32> -> vector<128x4096xf32>
        %dot_general3A = arith.constant dense<0.000000e+00> : vector<1x4096xf32>
        %dot_general3A_47 = tpu.matmul %get3A_17, %transpose3A, %dot_general3A {dimension_numbers = #tpu.dot_dimension_numbers<[1], [0], [0], [1], [0, 0, 1, 1], [], []>, transpose_lhs_hint = false} : vector<1x128xf32>, vector<128x4096xf32>, vector<1x4096xf32> -> vector<1x4096xf32>
        %mul3A = arith.constant 4096 : i32
        %mul3A_48 = arith.muli %add3A_43, %mul3A : i32
        %get3A_49 = arith.constant 0 : index
        %get3A_50 = arith.index_cast %mul3A_48 : i32 to index
        %get3A_51 = vector.load %arg2[%get3A_49, %get3A_50] : memref<1x102400xf32, #tpu.memory_space<vmem>>, vector<1x4096xf32>
        %add3A_52 = arith.addf %dot_general3A_47, %get3A_51 : vector<1x4096xf32>
        %mul3A_53 = arith.constant 4096 : i32
        %mul3A_54 = arith.muli %add3A_43, %mul3A_53 : i32
        %iota3A = tpu.iota {dimensions = array<i32: 1>} : vector<1x4096xi32>
        %add3A_55 = vector.broadcast %mul3A_54 : i32 to vector<1x4096xi32>
        %add3A_56 = arith.addi %add3A_55, %iota3A : vector<1x4096xi32>
        %lt3A_57 = arith.constant 100000 : i32
        %lt3A_58 = vector.broadcast %lt3A_57 : i32 to vector<1x4096xi32>
        %lt3A_59 = arith.cmpi slt, %add3A_56, %lt3A_58 : vector<1x4096xi32>
        %jit3A = arith.constant 0xFF800000 : f32
        %broadcast_in_dim3A = vector.broadcast %jit3A : f32 to vector<1x4096xf32>
        %select_n3A = arith.select %lt3A_59, %add3A_52, %broadcast_in_dim3A : vector<1x4096xi1>, vector<1x4096xf32>
        %mul3A_60 = arith.constant 4096 : i32
        %mul3A_61 = arith.muli %add3A_43, %mul3A_60 : i32
        %swap3A = arith.constant 0 : index
        %swap3A_62 = arith.index_cast %mul3A_61 : i32 to index
        %swap3A_63 = vector.load %arg9[%swap3A, %swap3A_62] : memref<1x102400xf32, #tpu.memory_space<vmem>>, vector<1x4096xf32>
        tpu.vector_store %arg9[%swap3A, %swap3A_62], %select_n3A {strides = array<i32>} : memref<1x102400xf32, #tpu.memory_space<vmem>>, vector<1x4096xf32>,
        %reduce_max3A = vector.shape_cast %select_n3A : vector<1x4096xf32> to vector<1x1x4096xf32>
        %reduce_max3A_64 = arith.constant dense<0xFF800000> : vector<1xf32>
        %reduce_max3A_65 = vector.multi_reduction <maximumf>, %reduce_max3A, %reduce_max3A_64 [1, 2] : vector<1x1x4096xf32> to vector<1xf32>
        %reduce_max3A_66 = vector.shape_cast %reduce_max3A_65 : vector<1xf32> to vector<1x1x1xf32>
        %reduce_max3A_67 = vector.extract %reduce_max3A_66[0, 0, 0] : f32 from vector<1x1x1xf32>
        %get3A_68 = arith.constant 0 : index
        %get3A_69 = arith.constant 0 : index
        %get3A_70 = memref.load %arg10[%get3A_68, %get3A_69] : memref<1x1xf32, #tpu.memory_space<smem>>
        %max3A = arith.maximumf %get3A_70, %reduce_max3A_67 : f32
        %get3A_71 = arith.constant 0 : index
        %get3A_72 = arith.constant 0 : index
        %get3A_73 = memref.load %arg11[%get3A_71, %get3A_72] : memref<1x1xf32, #tpu.memory_space<smem>>
        %sub3A = arith.subf %get3A_70, %max3A : f32
        %exp3A = math.exp %sub3A : f32
        %mul3A_74 = arith.mulf %get3A_73, %exp3A : f32
        %sub3A_75 = vector.broadcast %max3A : f32 to vector<1x4096xf32>
        %sub3A_76 = arith.subf %select_n3A, %sub3A_75 : vector<1x4096xf32>
        %exp3A_77 = math.exp %sub3A_76 : vector<1x4096xf32>
        %reduce_sum3A = vector.shape_cast %exp3A_77 : vector<1x4096xf32> to vector<1x1x4096xf32>
        %reduce_sum3A_78 = arith.constant dense<0.000000e+00> : vector<1xf32>
        %reduce_sum3A_79 = vector.multi_reduction <add>, %reduce_sum3A, %reduce_sum3A_78 [1, 2] : vector<1x1x4096xf32> to vector<1xf32>
        %reduce_sum3A_80 = vector.shape_cast %reduce_sum3A_79 : vector<1xf32> to vector<1x1x1xf32>
        %reduce_sum3A_81 = vector.extract %reduce_sum3A_80[0, 0, 0] : f32 from vector<1x1x1xf32>
        %add3A_82 = arith.addf %mul3A_74, %reduce_sum3A_81 : f32
        %swap3A_83 = arith.constant 0 : index
        %swap3A_84 = arith.constant 0 : index
        %swap3A_85 = memref.load %arg11[%swap3A_83, %swap3A_84] : memref<1x1xf32, #tpu.memory_space<smem>>
        memref.store %add3A_82, %arg11[%swap3A_83, %swap3A_84] : memref<1x1xf32, #tpu.memory_space<smem>>
        %swap3A_86 = arith.constant 0 : index
        %swap3A_87 = arith.constant 0 : index
        %swap3A_88 = memref.load %arg10[%swap3A_86, %swap3A_87] : memref<1x1xf32, #tpu.memory_space<smem>>
        memref.store %max3A, %arg10[%swap3A_86, %swap3A_87] : memref<1x1xf32, #tpu.memory_space<smem>>
      } else {
      }
      %lt3A_38 = arith.constant 5 : i32
      %lt3A_39 = arith.cmpi slt, %arg0, %lt3A_38 : i32
      %convert_element_type3A_40 = arith.extui %lt3A_39 : i1 to i32
      %cond3A_41 = arith.constant 0 : i32
      %cond3A_42 = arith.cmpi ne, %convert_element_type3A_40, %cond3A_41 : i32
      scf.if %cond3A_42 {
        %add3A = arith.constant 20 : i32
        %add3A_43 = arith.addi %add3A, %arg0 : i32
        %get3A_44 = arith.constant 0 : index
        %get3A_45 = arith.constant 0 : index
        %get3A_46 = vector.load %arg7[%get3A_44, %get3A_45] : memref<4096x128xf32, #tpu.memory_space<vmem>>, vector<4096x128xf32>
        %transpose3A = tpu.transpose %get3A_46, [1, 0] : vector<4096x128xf32> -> vector<128x4096xf32>
        %dot_general3A = arith.constant dense<0.000000e+00> : vector<1x4096xf32>
        %dot_general3A_47 = tpu.matmul %get3A_17, %transpose3A, %dot_general3A {dimension_numbers = #tpu.dot_dimension_numbers<[1], [0], [0], [1], [0, 0, 1, 1], [], []>, transpose_lhs_hint = false} : vector<1x128xf32>, vector<128x4096xf32>, vector<1x4096xf32> -> vector<1x4096xf32>
        %mul3A = arith.constant 4096 : i32
        %mul3A_48 = arith.muli %add3A_43, %mul3A : i32
        %get3A_49 = arith.constant 0 : index
        %get3A_50 = arith.index_cast %mul3A_48 : i32 to index
        %get3A_51 = vector.load %arg2[%get3A_49, %get3A_50] : memref<1x102400xf32, #tpu.memory_space<vmem>>, vector<1x4096xf32>
        %add3A_52 = arith.addf %dot_general3A_47, %get3A_51 : vector<1x4096xf32>
        %mul3A_53 = arith.constant 4096 : i32
        %mul3A_54 = arith.muli %add3A_43, %mul3A_53 : i32
        %iota3A = tpu.iota {dimensions = array<i32: 1>} : vector<1x4096xi32>
        %add3A_55 = vector.broadcast %mul3A_54 : i32 to vector<1x4096xi32>
        %add3A_56 = arith.addi %add3A_55, %iota3A : vector<1x4096xi32>
        %lt3A_57 = arith.constant 100000 : i32
        %lt3A_58 = vector.broadcast %lt3A_57 : i32 to vector<1x4096xi32>
        %lt3A_59 = arith.cmpi slt, %add3A_56, %lt3A_58 : vector<1x4096xi32>
        %jit3A = arith.constant 0xFF800000 : f32
        %broadcast_in_dim3A = vector.broadcast %jit3A : f32 to vector<1x4096xf32>
        %select_n3A = arith.select %lt3A_59, %add3A_52, %broadcast_in_dim3A : vector<1x4096xi1>, vector<1x4096xf32>
        %mul3A_60 = arith.constant 4096 : i32
        %mul3A_61 = arith.muli %add3A_43, %mul3A_60 : i32
        %swap3A = arith.constant 0 : index
        %swap3A_62 = arith.index_cast %mul3A_61 : i32 to index
        %swap3A_63 = vector.load %arg9[%swap3A, %swap3A_62] : memref<1x102400xf32, #tpu.memory_space<vmem>>, vector<1x4096xf32>
        tpu.vector_store %arg9[%swap3A, %swap3A_62], %select_n3A {strides = array<i32>} : memref<1x102400xf32, #tpu.memory_space<vmem>>, vector<1x4096xf32>,
        %reduce_max3A = vector.shape_cast %select_n3A : vector<1x4096xf32> to vector<1x1x4096xf32>
        %reduce_max3A_64 = arith.constant dense<0xFF800000> : vector<1xf32>
        %reduce_max3A_65 = vector.multi_reduction <maximumf>, %reduce_max3A, %reduce_max3A_64 [1, 2] : vector<1x1x4096xf32> to vector<1xf32>
        %reduce_max3A_66 = vector.shape_cast %reduce_max3A_65 : vector<1xf32> to vector<1x1x1xf32>
        %reduce_max3A_67 = vector.extract %reduce_max3A_66[0, 0, 0] : f32 from vector<1x1x1xf32>
        %get3A_68 = arith.constant 0 : index
        %get3A_69 = arith.constant 0 : index
        %get3A_70 = memref.load %arg10[%get3A_68, %get3A_69] : memref<1x1xf32, #tpu.memory_space<smem>>
        %max3A = arith.maximumf %get3A_70, %reduce_max3A_67 : f32
        %get3A_71 = arith.constant 0 : index
        %get3A_72 = arith.constant 0 : index
        %get3A_73 = memref.load %arg11[%get3A_71, %get3A_72] : memref<1x1xf32, #tpu.memory_space<smem>>
        %sub3A = arith.subf %get3A_70, %max3A : f32
        %exp3A = math.exp %sub3A : f32
        %mul3A_74 = arith.mulf %get3A_73, %exp3A : f32
        %sub3A_75 = vector.broadcast %max3A : f32 to vector<1x4096xf32>
        %sub3A_76 = arith.subf %select_n3A, %sub3A_75 : vector<1x4096xf32>
        %exp3A_77 = math.exp %sub3A_76 : vector<1x4096xf32>
        %reduce_sum3A = vector.shape_cast %exp3A_77 : vector<1x4096xf32> to vector<1x1x4096xf32>
        %reduce_sum3A_78 = arith.constant dense<0.000000e+00> : vector<1xf32>
        %reduce_sum3A_79 = vector.multi_reduction <add>, %reduce_sum3A, %reduce_sum3A_78 [1, 2] : vector<1x1x4096xf32> to vector<1xf32>
        %reduce_sum3A_80 = vector.shape_cast %reduce_sum3A_79 : vector<1xf32> to vector<1x1x1xf32>
        %reduce_sum3A_81 = vector.extract %reduce_sum3A_80[0, 0, 0] : f32 from vector<1x1x1xf32>
        %add3A_82 = arith.addf %mul3A_74, %reduce_sum3A_81 : f32
        %swap3A_83 = arith.constant 0 : index
        %swap3A_84 = arith.constant 0 : index
        %swap3A_85 = memref.load %arg11[%swap3A_83, %swap3A_84] : memref<1x1xf32, #tpu.memory_space<smem>>
        memref.store %add3A_82, %arg11[%swap3A_83, %swap3A_84] : memref<1x1xf32, #tpu.memory_space<smem>>
        %swap3A_86 = arith.constant 0 : index
        %swap3A_87 = arith.constant 0 : index
        %swap3A_88 = memref.load %arg10[%swap3A_86, %swap3A_87] : memref<1x1xf32, #tpu.memory_space<smem>>
        memref.store %max3A, %arg10[%swap3A_86, %swap3A_87] : memref<1x1xf32, #tpu.memory_space<smem>>
      } else {
      }
    } else {
    }
    %eq3A_6 = arith.constant 4 : i32
    %eq3A_7 = arith.cmpi eq, %arg0, %eq3A_6 : i32
    %convert_element_type3A_8 = arith.extui %eq3A_7 : i1 to i32
    %cond3A_9 = arith.constant 0 : i32
    %cond3A_10 = arith.cmpi ne, %convert_element_type3A_8, %cond3A_9 : i32
    scf.if %cond3A_10 {
      %get3A = arith.constant 0 : index
      %get3A_16 = arith.constant 0 : index
      %get3A_17 = memref.load %arg10[%get3A, %get3A_16] : memref<1x1xf32, #tpu.memory_space<smem>>
      %get3A_18 = arith.constant 0 : index
      %get3A_19 = arith.constant 0 : index
      %get3A_20 = memref.load %arg11[%get3A_18, %get3A_19] : memref<1x1xf32, #tpu.memory_space<smem>>
      %log3A = math.log %get3A_20 : f32
      %add3A = arith.addf %get3A_17, %log3A : f32
      %swap3A = arith.constant 0 : index
      %swap3A_21 = arith.constant 0 : index
      %swap3A_22 = memref.load %arg10[%swap3A, %swap3A_21] : memref<1x1xf32, #tpu.memory_space<smem>>
      memref.store %add3A, %arg10[%swap3A, %swap3A_21] : memref<1x1xf32, #tpu.memory_space<smem>>
    } else {
    }
    %eq3A_11 = arith.constant 5 : i32
    %eq3A_12 = arith.cmpi eq, %arg0, %eq3A_11 : i32
    %convert_element_type3A_13 = arith.extui %eq3A_12 : i1 to i32
    %cond3A_14 = arith.constant 0 : i32
    %cond3A_15 = arith.cmpi ne, %convert_element_type3A_13, %cond3A_14 : i32
    scf.if %cond3A_15 {
      %get3A = arith.constant 0 : index
      %get3A_16 = arith.constant 0 : index
      %get3A_17 = vector.load %arg9[%get3A, %get3A_16] : memref<1x102400xf32, #tpu.memory_space<vmem>>, vector<1x100000xf32>
      %get3A_18 = arith.constant 0 : index
      %get3A_19 = arith.constant 0 : index
      %get3A_20 = memref.load %arg10[%get3A_18, %get3A_19] : memref<1x1xf32, #tpu.memory_space<smem>>
      %sub3A = vector.broadcast %get3A_20 : f32 to vector<1x100000xf32>
      %sub3A_21 = arith.subf %get3A_17, %sub3A : vector<1x100000xf32>
      %swap3A = arith.constant 0 : index
      %swap3A_22 = arith.constant 0 : index
      %swap3A_23 = vector.load %arg8[%swap3A, %swap3A_22] : memref<1x100000xf32, #tpu.memory_space<vmem>>, vector<1x100000xf32>
      tpu.vector_store %arg8[%swap3A, %swap3A_22], %sub3A_21 {strides = array<i32>} : memref<1x100000xf32, #tpu.memory_space<vmem>>, vector<1x100000xf32>,
    } else {
    }
    return
  }
  func.func @transform_0(%arg0: i32) -> (i32, i32) {
    %c0_i32 = arith.constant 0 : i32
    %c0_i32_0 = arith.constant 0 : i32
    %c0_i32_1 = arith.constant 0 : i32
    return %c0_i32, %c0_i32_0 : i32, i32
  }
  func.func @transform_1(%arg0: i32) -> (i32, i32) {
    %c0_i32 = arith.constant 0 : i32
    %c0_i32_0 = arith.constant 0 : i32
    %c0_i32_1 = arith.constant 0 : i32
    return %c0_i32, %c0_i32_0 : i32, i32
  }
  func.func @transform_2(%arg0: i32) -> (i32, i32) {
    %add3A = arith.constant 0 : i32
    %add3A_0 = arith.addi %add3A, %arg0 : i32
    %jit3A = arith.constant 0 : i32
    %jit3A_1 = arith.constant 4 : i32
    %max3A = arith.maxsi %jit3A, %add3A_0 : i32
    %min3A = arith.minsi %jit3A_1, %max3A : i32
    %c0_i32 = arith.constant 0 : i32
    %c0_i32_2 = arith.constant 0 : i32
    return %min3A, %c0_i32 : i32, i32
  }
  func.func @transform_3(%arg0: i32) -> (i32, i32) {
    %add3A = arith.constant 5 : i32
    %add3A_0 = arith.addi %add3A, %arg0 : i32
    %jit3A = arith.constant 5 : i32
    %jit3A_1 = arith.constant 9 : i32
    %max3A = arith.maxsi %jit3A, %add3A_0 : i32
    %min3A = arith.minsi %jit3A_1, %max3A : i32
    %c0_i32 = arith.constant 0 : i32
    %c0_i32_2 = arith.constant 0 : i32
    return %min3A, %c0_i32 : i32, i32
  }
  func.func @transform_4(%arg0: i32) -> (i32, i32) {
    %add3A = arith.constant 10 : i32
    %add3A_0 = arith.addi %add3A, %arg0 : i32
    %jit3A = arith.constant 10 : i32
    %jit3A_1 = arith.constant 14 : i32
    %max3A = arith.maxsi %jit3A, %add3A_0 : i32
    %min3A = arith.minsi %jit3A_1, %max3A : i32
    %c0_i32 = arith.constant 0 : i32
    %c0_i32_2 = arith.constant 0 : i32
    return %min3A, %c0_i32 : i32, i32
  }
  func.func @transform_5(%arg0: i32) -> (i32, i32) {
    %add3A = arith.constant 15 : i32
    %add3A_0 = arith.addi %add3A, %arg0 : i32
    %jit3A = arith.constant 15 : i32
    %jit3A_1 = arith.constant 19 : i32
    %max3A = arith.maxsi %jit3A, %add3A_0 : i32
    %min3A = arith.minsi %jit3A_1, %max3A : i32
    %c0_i32 = arith.constant 0 : i32
    %c0_i32_2 = arith.constant 0 : i32
    return %min3A, %c0_i32 : i32, i32
  }
  func.func @transform_6(%arg0: i32) -> (i32, i32) {
    %add3A = arith.constant 20 : i32
    %add3A_0 = arith.addi %add3A, %arg0 : i32
    %jit3A = arith.constant 20 : i32
    %jit3A_1 = arith.constant 24 : i32
    %max3A = arith.maxsi %jit3A, %add3A_0 : i32
    %min3A = arith.minsi %jit3A_1, %max3A : i32
    %c0_i32 = arith.constant 0 : i32
    %c0_i32_2 = arith.constant 0 : i32
    return %min3A, %c0_i32 : i32, i32
  }
  func.func @transform_7(%arg0: i32) -> (i32, i32) {
    %c0_i32 = arith.constant 0 : i32
    %c0_i32_0 = arith.constant 0 : i32
    %c0_i32_1 = arith.constant 0 : i32
    return %c0_i32, %c0_i32_0 : i32, i32
  }
}

module attributes {stable_mosaic.version = 14 : i64} {
  func.func @_l1_kernel(%arg0: memref<1x4096xf32, #tpu.memory_space<vmem>>, %arg1: memref<128x2560xf32, #tpu.memory_space<vmem>>, %arg2: memref<1x128xf32, #tpu.memory_space<vmem>>, %arg3: memref<1x128xf32, #tpu.memory_space<vmem>>) attributes {dimension_semantics = [], scalar_prefetch = 0 : i64, scratch_operands = 0 : i64, tpu.core_type = #tpu.core_type<tc>} {
    %get3A = arith.constant 0 : index
    %get3A_0 = arith.constant 0 : index
    %get3A_1 = vector.load %arg0[%get3A, %get3A_0] : memref<1x4096xf32, #tpu.memory_space<vmem>>, vector<1x2560xf32>
    %get3A_2 = arith.constant 0 : index
    %get3A_3 = arith.constant 0 : index
    %get3A_4 = vector.load %arg1[%get3A_2, %get3A_3] : memref<128x2560xf32, #tpu.memory_space<vmem>>, vector<128x2560xf32>
    %transpose3A = tpu.transpose %get3A_4, [1, 0] : vector<128x2560xf32> -> vector<2560x128xf32>
    %dot_general3A = arith.constant dense<0.000000e+00> : vector<1x128xf32>
    %dot_general3A_5 = tpu.matmul %get3A_1, %transpose3A, %dot_general3A {dimension_numbers = #tpu.dot_dimension_numbers<[1], [0], [0], [1], [0, 0, 1, 1], [], []>, transpose_lhs_hint = false} : vector<1x2560xf32>, vector<2560x128xf32>, vector<1x128xf32> -> vector<1x128xf32>
    %get3A_6 = arith.constant 0 : index
    %get3A_7 = arith.constant 0 : index
    %get3A_8 = vector.load %arg2[%get3A_6, %get3A_7] : memref<1x128xf32, #tpu.memory_space<vmem>>, vector<1x128xf32>
    %add3A = arith.addf %dot_general3A_5, %get3A_8 : vector<1x128xf32>
    %max3A = arith.constant 0.000000e+00 : f32
    %max3A_9 = vector.broadcast %max3A : f32 to vector<1x128xf32>
    %max3A_10 = arith.maximumf %add3A, %max3A_9 : vector<1x128xf32>
    %swap3A = arith.constant 0 : index
    %swap3A_11 = arith.constant 0 : index
    %swap3A_12 = vector.load %arg3[%swap3A, %swap3A_11] : memref<1x128xf32, #tpu.memory_space<vmem>>, vector<1x128xf32>
    tpu.vector_store %arg3[%swap3A, %swap3A_11], %max3A_10 {strides = array<i32>} : memref<1x128xf32, #tpu.memory_space<vmem>>, vector<1x128xf32>,
    return
  }
}

</mosaic_0001>

<sc_bundles>
// kernel: kernel.5.cloned.1.call-start
scs
__scs_entry_jumppad:
0x0: {  	(pc) =	sbr.rel $0x88, $3  }
0x1: {  	(tag) =	ssettag $0x0;
	lr =	simm.s32 $0x1  }
0x2: {  	[smem:$0x3F9B] =	sst lr;
	_ =	strace $0xD0000000  }
0x3: {  	_ = 	snop  }
0x4: {  	_ = 	snop  }
0x5: {  	_ = 	snop  }
0x6: {  	_ = 	snop  }
0x7: {  	_ = 	snop  }
__scs_overlays_trampoline_lowered:
0x8: {  	[smem:$0x3FAA] =	sst s0  }
0x9: {  	[smem:$0x3FAB] =	sst s1  }
0xa: {  	[smem:$0x3FAC] =	sst s2  }
0xb: {  	[smem:$0x3FAD] =	sst s3  }
0xc: {  	[smem:$0x3FAE] =	sst s4  }
0xd: {  	[smem:$0x3FAF] =	sst s5  }
0xe: {  	[smem:$0x3FB0] =	sst s6  }
0xf: {  	[smem:$0x3FB1] =	sst s7  }
0x10: {  	[smem:$0x3FB2] =	sst s8  }
0x11: {  	[smem:$0x3FB3] =	sst s9;
	s0 =	simm.s32 @!p0 $0x0  }
0x12: {  	s1 =	sld [smem:$0x3F99];
	s0 =	simm.s32 @p0 $0x1  }
0x13: {  	[smem:$0x3FB4] =	sst s0;
	s0 =	simm.s32 @!p1 $0x0  }
0x14: {  	s2 =	sld [smem:$0x3F98];
	s0 =	simm.s32 @p1 $0x1  }
0x15: {  	[smem:$0x3FB5] =	sst s0;
	s0 =	simm.s32 @!p2 $0x0  }
0x16: {  	s3 =	sld [smem:$0x3FDB];
	s0 =	simm.s32 @p2 $0x1  }
0x17: {  	s4 =	simm.s32 $0x1BF5;
	[smem:$0x3FB7] =	sst s0  }
0x18: {  	s0 =	sld [smem:$0x3F9A];
	_ =	swait.ge [sflag:s4], $0x0  }
0x19: {  	s7 =	sld [smem:$0x3F9B]  }
0x1a: {  	s8 =	sadd.s32 $0xFFFFE003, lr  }
0x1b: {  	s9 =	sadd.s32 $0xFFFFFEF7, lr;
	s5 =	simm.s32 $0xFFFFFFFF;
	p2 =	slt.u32 s8, $0xFFFFF086  }
0x1c: {  	p1 =	slt.u32 s9, $0xF7A;
	s5 =	simm.s32 @!p2 $0x0  }
0x1d: {  	s5 =	simm.s32 @p1 $0x1;
	p0 =	seq.s32 s7, s2  }
0x1e: {  	s7 =	smul.u32 @!p0 $0xF7A, s2;
	p2 =	seq.s32 @!p0 s5, $0x0  }
0x1f: {  	s9 =	smul.u32 $0xF7A, s1;
	s8 =	simm.s32 @!p0 $0x1BF5;
	p2 =	por !p2, p0  }
0x20: {  	[sflag:s8] =	ssyncset.s32 @!p0 $0xFFFFF086;
	s6 =	sadd.s32 @!p0 s3, s7;
	s7 =	simm.s32 @!p0 $0x108  }
0x21: {  	s3 =	sadd.s32 s3, s9;
	s6 =	sadd.s32 @!p0 $0x88, s6;
	s7 =	simm.s32 @p2 $0x1082  }
0x22: {  	[simem:s7], [sflag:s8] =	dma.local @!p0 [hbm:s6], $0xF7A  }
0x23: {  	s9 =	sor.u32 $0xD0000000, s2;
	s6 =	simm.s32 $0x108;
	_ =	swait.ge @!p0 [sflag:s8], $0x0  }
0x24: {  	s3 =	sadd.s32 $0x88, s3;
	s6 =	simm.s32 @!p1 $0x1082;
	[sflag:s4] =	ssyncset.s32 $0xFFFFF086  }
0x25: {  	[simem:s6], [sflag:s4] =	dma.local [hbm:s3], $0xF7A  }
0x26: {  	[smem:$0x3F9B] =	sst s1;
	(tag) =	ssettag s2;
	_ =	strace s9  }
0x27: {  	s1 =	sld [smem:$0x3FAB]  }
0x28: {  	s2 =	sld [smem:$0x3FAC]  }
0x29: {  	s4 =	sld [smem:$0x3FAE]  }
0x2a: {  	p0 =	seq.s32 s5, $0x0;
	s5 =	sld [smem:$0x3FAF]  }
0x2b: {  	s6 =	sld [smem:$0x3FB0]  }
0x2c: {  	s7 =	sld [smem:$0x3FB1]  }
0x2d: {  	s3 =	simm.s32 $0x108;
	s8 =	sld [smem:$0x3FB2]  }
0x2e: {  	s3 =	simm.s32 @!p0 $0x1082;
	s9 =	sld [smem:$0x3FB3]  }
0x2f: {  	lr =	sadd.s32 s0, s3;
	s0 =	sld [smem:$0x3FAA]  }
0x30: {  	s3 =	sld [smem:$0x3FAD]  }
0x31: {  	[smem:$0x3FB6] =	sst s10  }
0x32: {  	s10 =	sld [smem:$0x3FB4];
	_ =	sdelay $0x3  }
0x33: {  	p0 =	seq.s32 s10, $0x1;
	s10 =	sld [smem:$0x3FB6];
	_ =	sdelay $0x3  }
0x34: {  	[smem:$0x3FB6] =	sst s10  }
0x35: {  	s10 =	sld [smem:$0x3FB5];
	_ =	sdelay $0x3  }
0x36: {  	p1 =	seq.s32 s10, $0x1;
	s10 =	sld [smem:$0x3FB6];
	_ =	sdelay $0x3  }
0x37: {  	[smem:$0x3FB6] =	sst s10  }
0x38: {  	s10 =	sld [smem:$0x3FB7]  }
0x39: {  	_ = 	snop;
	(pc) =	sbr.ind lr, $3  }
0x3a: {  	_ = 	snop  }
0x3b: {  	_ = 	snop  }
0x3c: {  	p2 =	seq.s32 s10, $0x1;
	s10 =	sld [smem:$0x3FB6]  }
0x3d: {  	_ =	shalt  }
0x3e: {  	_ =	shalt  }
0x3f: {  	_ =	shalt  }
0x40: {  	_ =	shalt  }
0x41: {  	_ =	shalt  }
0x42: {  	_ =	shalt  }
0x43: {  	_ =	shalt  }
0x44: {  	_ =	shalt  }
0x45: {  	_ =	shalt  }
0x46: {  	_ =	shalt  }
0x47: {  	_ =	shalt  }
0x48: {  	_ =	shalt  }
0x49: {  	_ =	shalt  }
0x4a: {  	_ =	shalt  }
0x4b: {  	_ =	shalt  }
0x4c: {  	_ =	shalt  }
0x4d: {  	_ =	shalt  }
0x4e: {  	_ =	shalt  }
0x4f: {  	_ =	shalt  }
0x50: {  	_ =	shalt  }
0x51: {  	_ =	shalt  }
0x52: {  	_ =	shalt  }
0x53: {  	_ =	shalt  }
0x54: {  	_ =	shalt  }
0x55: {  	_ =	shalt  }
0x56: {  	_ =	shalt  }
0x57: {  	_ =	shalt  }
0x58: {  	_ =	shalt  }
0x59: {  	_ =	shalt  }
0x5a: {  	_ =	shalt  }
0x5b: {  	_ =	shalt  }
0x5c: {  	_ =	shalt  }
0x5d: {  	_ =	shalt  }
0x5e: {  	_ =	shalt  }
0x5f: {  	_ =	shalt  }
0x60: {  	_ =	shalt  }
0x61: {  	_ =	shalt  }
0x62: {  	_ =	shalt  }
0x63: {  	_ =	shalt  }
0x64: {  	_ =	shalt  }
0x65: {  	_ =	shalt  }
0x66: {  	_ =	shalt  }
0x67: {  	_ =	shalt  }
0x68: {  	_ =	shalt  }
0x69: {  	_ =	shalt  }
0x6a: {  	_ =	shalt  }
0x6b: {  	_ =	shalt  }
0x6c: {  	_ =	shalt  }
0x6d: {  	_ =	shalt  }
0x6e: {  	_ =	shalt  }
0x6f: {  	_ =	shalt  }
0x70: {  	_ =	shalt  }
0x71: {  	_ =	shalt  }
0x72: {  	_ =	shalt  }
0x73: {  	_ =	shalt  }
0x74: {  	_ =	shalt  }
0x75: {  	_ =	shalt  }
0x76: {  	_ =	shalt  }
0x77: {  	_ =	shalt  }
0x78: {  	_ =	shalt  }
0x79: {  	_ =	shalt  }
0x7a: {  	_ =	shalt  }
0x7b: {  	_ =	shalt  }
0x7c: {  	_ =	shalt  }
0x7d: {  	_ =	shalt  }
0x7e: {  	_ =	shalt  }
0x7f: {  	_ =	shalt  }
0x80: {  	_ =	shalt  }
0x81: {  	_ =	shalt  }
0x82: {  	_ =	shalt  }
0x83: {  	_ =	shalt  }
0x84: {  	_ =	shalt  }
0x85: {  	_ =	shalt  }
0x86: {  	_ =	shalt  }
0x87: {  	_ =	shalt  }
.Lfunc_end0:
.L_simem_size_0:
called_computation_lowered:
.L_overlay_start_0:
0x88: {  	s2 =	sld [smem:$0x3FD9]  }
0x89: {  	s3 =	sld [smem:$0x3FFE];
	_ =	sdelay $0x1  }
0x8a: {  	s1 =	srdreg.scid  }
0x8b: {  	s0 =	sand.u32 $0x1, s1  }
0x8c: {  	s17 =	sshll.u32 s0, $0xA;
	s2 =	sadd.s32 s3, s2  }
0x8d: {  	s2 =	sadd.s32 s2, s17  }
0x8e: {  	[smem:$0x3FC2] =	sst s2  }
0x8f: {  	_ = 	snop  }
0x90: {  	s2 =	sld [smem:$0x3FC8]  }
0x91: {  	s18 =	sld [smem:$0x3FD0];
	(tm) =	ssettm $0x1  }
0x92: {  	s4 =	sld [smem:$0x3FFB];
	_ =	sdelay $0x3  }
0x93: {  	_ =	strace s4  }
0x94: {  	s4 =	sld [smem:$0x3FFC];
	_ =	sdelay $0x3  }
0x95: {  	_ =	strace s4  }
0x96: {  	s4 =	sld [smem:$0x3FFD];
	_ =	sdelay $0x3  }
0x97: {  	_ =	strace s4  }
0x98: {  	_ =	strace $0x8FFFFFFF  }
0x99: {  	s19 =	sld [smem:$0x3FDB];
	_ =	sdelay $0x1  }
0x9a: {  	s5 =	simm.s32 $_scs_section_size  }
0x9b: {  	s6 =	simm.s32 $_size__tile_overlayer_lowered;
	s7 =	simm.s32 $_tile_overlayer_lowered  }
0x9c: {  	s22 =	simm.s32 $0x1BFF;
	s21 =	sshll.u32 s7, $0x1;
	s4 =	sadd.s32 s5, s19  }
0x9d: {  	s8 =	simm.s32 $0x0;
	s20 =	sshll.u32 s6, $0x1;
	s6 =	sadd.s32 s21, s4  }
0x9e: {  	[timem:s8], [sflag:s22] =	dma.local [hbm:s6], s20  }
0x9f: {  	_ =	swait.ge [sflag:s22], s20  }
0xa0: {  	s5 =	ssub.s32 $0x0, s20;
	[sflag:s22] =	ssyncset.done $0x0  }
0xa1: {  	[sflag:s22] =	ssyncadd.s32 s5;
	_ =	sdelay $0x1  }
0xa2: {  	s23 =	simm.s32 $0x1B8B  }
0xa3: {  	_ =	swait.ge [sflag:s23], $0x1  }
0xa4: {  	[sflag:s23] =	ssyncset.done $0x0  }
0xa5: {  	s25 =	simm.s32 $0x1B8E;
	s24 =	sld [smem:$0x3FFE];
	[sflag:s23] =	ssyncadd.s32 $0xFFFFFFFF  }
0xa6: {  	s26 =	simm.s32 $execute0_lowered;
	[smem:$0x3FD2] =	sst s25  }
0xa7: {  	s6 =	sshll.u32 s26, $0x1;
	_ =	strace $0x80000046;
	[dreg:$0x1] =	wrdreg $0xFFFFFFFF  }
0xa8: {  	s28 =	simm.s32 $_size_execute0_lowered;
	s4 =	sadd.s32 s4, s6;
	[dreg:$0x0] =	wrdreg $0x0  }
0xa9: {  	s6 =	sshll.u32 s28, $0x1;
	[dreg:$0x2] =	wrdreg s4  }
0xaa: {  	[dreg:$0x3] =	wrdreg s6  }
0xab: {  	[dreg:$0x4] =	wrdreg $0xC0  }
0xac: {  	_ =	task [dreg:s8], $0x5FFFF  }
0xad: {  	[dreg:$0x1] =	wrdreg $0xFFFFFFFF  }
0xae: {  	[dreg:$0x0] =	wrdreg $0x60  }
0xaf: {  	[dreg:$0x2] =	wrdreg s2  }
0xb0: {  	[dreg:$0x3] =	wrdreg s24  }
0xb1: {  	[dreg:$0x4] =	wrdreg s18  }
0xb2: {  	[dreg:$0x5] =	wrdreg $0x9  }
0xb3: {  	_ =	task.clear_ibuf [dreg:s8], $0x6FFFF;
	_ =	strace $0x90000046  }
0xb4: {  	s29 =	simm.s32 $0x9;
	_ =	strace $0x80000048  }
0xb5: {  	_ =	swait.ge [sflag:s29], $0x1  }
0xb6: {  	[sflag:s29] =	ssyncadd.s32 $0xFFFFFFFF  }
0xb7: {  	_ =	strace $0x90000048  }
0xb8: {  	_ =	sfence  }
0xb9: {  	s30 =	sld [smem:$0x0];
	_ =	sdelay $0x2  }
0xba: {  	s31 =	sshll.u32 s1, $0xD;
	s1 =	sshrl.u32 s1, $0x2  }
0xbb: {  	s3 =	sand.u32 $0x4000, s31;
	s1 =	sadd.s32 s1, s30  }
0xbc: {  	s0 =	sor.u32 s3, s0;
	s1 =	sshll.u32 s1, $0x11  }
0xbd: {  	s0 =	sor.u32 s1, s0  }
0xbe: {  	s0 =	sadd.s32 $0x8F2B, s0  }
0xbf: {  	[sflag:s0] =	ssyncadd.remote.s32 $0x1  }
0xc0: {  	_ =	sfence.sel $0xFFFF  }
0xc1: {  	[dreg:$0x0] =	wrdreg $0xFFFFFFFF;
	(pc) =	sbr.abs _section_cstart, $3  }
0xc2: {  	[dreg:$0x1] =	wrdreg $0xFFFFFFFF  }
0xc3: {  	_ =	task.clear_ibuf [dreg:s8], $0x2FFFF;
	_ =	strace $0x9FFFFFFF  }
0xc4: {  	(tm) =	ssettm $0x7FFFFFFF  }
0xc5: {  	_ =	shalt  }
tec
execute0_lowered:
.L_overlay_start_1:
0x0: {  	(tag) =	ssettag $0x1  }
0x1: {  	s1 =	stileid.u32  }
0x2: {  	p0 =	sgt.u32 s1, $0x1  }
.Ltmp0:
0x3: {  	s2 =	rddreg [dreg:$0x0];
	(pc) =	sbr.rel @p0 .LBB2_4-.Ltmp0, $4  }
0x4: {  	s4 =	rddreg [dreg:$0x1]  }
0x5: {  	s9 =	rddreg [dreg:$0x2];
	s3 =	simm.s32 $0x0  }
0x6: {  	[smem:$0x7FF] =	sst s3  }
0x7: {  	s0 =	rddreg [dreg:$0x3];
	_ =	strace $0x80000047  }
0x8: {  	s5 =	srdreg.scid  }
0x9: {  	s30 =	sshll.u32 s1, $0x1;
	s6 =	sand.u32 $0x1, s5  }
0xa: {  	s4 =	sadd.s32 $0xC00, s4;
	s10 =	sor.u32 s6, s30  }
0xb: {  	s11 =	ssub.s32 $0x2, s6;
	s5 =	sadd.s32 s4, s10;
	s4 =	simm.s32 $0x2  }
0xc: {  	[tilespmem:s3], [sflag:$0x2] =	stream.linear.gather [hbm4b:s5+s3], $0x8, $0x38;
	[tilespmem:$0x480] =	vst v63  }
0xd: {  	s7 =	simm.s32 $0x80;
	s12 =	sshrl.u32 s11, $0x1;
	_ =	swait.ge [sflag:s4], $0x8  }
0xe: {  	s8 =	simm.s32 $0x1;
	s11 =	ssub.s32 s11, s12;
	[sflag:s4] =	ssyncset.done $0x0  }
0xf: {  	s6 =	simm.s32 $0x8;
	s31 =	smax.u32 s11, $0x1;
	[sflag:s4] =	ssyncadd.s32 $0xFFFFFFF8  }
0x10: {  	[tilespmem:s7], [sflag:$0x1] =	stream.indirect.gather [hbm4b:s2+s6], $0x80, s3, s6, $0xb8;
	[tilespmem:$0x480] =	vst v63  }
0x11: {  	p0 =	sne.s32 s31, $0x1;
	_ =	swait.ge [sflag:s8], $0x400  }
.Ltmp1:
0x12: {  	s10 =	sshll.u32 s10, $0x7;
	[sflag:s8] =	ssyncset.done $0x0;
	(pc) =	sbr.rel @!p0 .LBB2_3-.Ltmp1, $4  }
0x13: {  	s9 =	sadd.s32 s9, s10;
	[sflag:s8] =	ssyncadd.s32 $0xFFFFFC00  }
0x14: {  	[hbm4b:s9+s3] =	stream.linear.scatter [tilespmem:s7], [sflag:$0x2], $0x400, $0x38;
	[tilespmem:$0x480] =	vst v63  }
0x15: {  	_ =	swait.ge [sflag:s4], $0x400  }
0x16: {  	s10 =	sadd.s32 $0xFFFFFFFF, s31;
	[sflag:s4] =	ssyncset.done $0x0  }
.LBB2_2:
0x17: {  	p0 =	sne.s32 s10, $0x1;
	s10 =	sadd.s32 $0xFFFFFFFF, s10;
	[sflag:s4] =	ssyncadd.s32 $0xFFFFFC00  }
0x18: {  	[tilespmem:s3], [sflag:$0x2] =	stream.linear.gather [hbm4b:s5+s3], $0x8, $0x38;
	[tilespmem:$0x480] =	vst v63  }
0x19: {  	_ =	swait.ge [sflag:s4], $0x8  }
0x1a: {  	[sflag:s4] =	ssyncset.done $0x0  }
0x1b: {  	[sflag:s4] =	ssyncadd.s32 $0xFFFFFFF8  }
0x1c: {  	[tilespmem:s7], [sflag:$0x1] =	stream.indirect.gather [hbm4b:s2+s6], $0x80, s3, s6, $0xb8;
	[tilespmem:$0x480] =	vst v63  }
0x1d: {  	_ =	swait.ge [sflag:s8], $0x400  }
.Ltmp2:
0x1e: {  	[sflag:s8] =	ssyncset.done $0x0;
	(pc) =	sbr.rel @p0 .LBB2_2-.Ltmp2, $4  }
0x1f: {  	[sflag:s8] =	ssyncadd.s32 $0xFFFFFC00  }
0x20: {  	[hbm4b:s9+s3] =	stream.linear.scatter [tilespmem:s7], [sflag:$0x2], $0x400, $0x38;
	[tilespmem:$0x480] =	vst v63  }
0x21: {  	_ =	swait.ge [sflag:s4], $0x400  }
0x22: {  	[sflag:s4] =	ssyncset.done $0x0  }
.LBB2_3:
0x23: {  	[sflag:s4] =	ssyncadd.s32 $0xFFFFFC00  }
.LBB2_4:
0x24: {  	_ =	sfence.sel $0x180000  }
0x25: {  	[bflag:$0x0] =	sbarrier.arrive $0xFFFF  }
0x26: {  	p0 =	sne.s32 s1, $0x0;
	_ =	strace $0x90000047  }
0x27: {  	s0 =	sadd.s32 @!p0 $0x100000, s0;
	[bflag:$0x2] =	sbarrier.arrive $0xFFFF  }
0x28: {  	[sflag:s0] =	ssyncadd.tile.s32 @!p0 $0x1;
	_ =	shalt  }
.Lfunc_end2:
_tile_overlayer_lowered:
.L_overlay_start_2:
0x29: {  	(tag) =	ssettag $0x2  }
0x2a: {  	s0 =	rddreg [dreg:$0x0];
	s2 =	stileid.u32  }
0x2b: {  	s1 =	rddreg [dreg:$0x1];
	p0 =	sne.s32 s2, $0x0  }
0x2c: {  	s3 =	rddreg [dreg:$0x2];
	[bflag:$0x3] =	sbarrier.arrive $0xFFFF;
	s2 =	simm.s32 @!p0 $0x1C02  }
0x2d: {  	[timem:s3], [sflag:s2] =	dma.local @!p0 [hbm:s0], s1  }
0x2e: {  	s0 =	simm.s32 @!p0 $0x2  }
0x2f: {  	_ =	swait.ge @!p0 [sflag:s0], s1  }
0x30: {  	s1 =	ssub.s32 @!p0 $0x0, s1;
	[sflag:s0] =	ssyncset.done @!p0 $0x0  }
0x31: {  	[sflag:s0] =	ssyncadd.s32 @!p0 s1  }
0x32: {  	[bflag:$0x3] =	sbarrier.arrive $0xFFFF  }
0x33: {  	_ =	shalt  }

</sc_bundles>
